<compile_context>
chip_gen: v7x
topology: tpu7x:2x2x1
jax: 0.10.2.dev20260603
libtpu: 0.0.44.dev20260713+nightly
codegen_flags: <defaults>
</compile_context>

<pallas_src>
import functools

import jax
import jax.numpy as jnp
from jax import lax
from jax.experimental import pallas as pl
from jax.experimental.pallas import tpu as pltpu
from jax.experimental.pallas import tpu_sc as plsc

_K = 8192
_D = 4
_BETA = 0.25
_NTOK = 16384
_R = 256
_NW = 32
_BPW = _NTOK // _NW
_LANES = 16


def _tc_body(z_ref, cbt_ref, idx_ref, loss_ref, b2_ref):
    i = pl.program_id(0)

    @pl.when(i == 0)
    def _init():
        cbt = cbt_ref[...]
        r0 = cbt[0:1, :]
        r1 = cbt[1:2, :]
        r2 = cbt[2:3, :]
        r3 = cbt[3:4, :]
        b2_ref[...] = ((r0 * r0 + r1 * r1) + r2 * r2) + r3 * r3
        loss_ref[...] = jnp.zeros((1, 1), jnp.float32)

    z = z_ref[...]
    u = lax.bitcast_convert_type(z, jnp.uint32)
    u = u + jnp.uint32(0x7FFF) + ((u >> jnp.uint32(16)) & jnp.uint32(1))
    u = u & jnp.uint32(0xFFFF0000)
    zb = lax.bitcast_convert_type(u, jnp.float32)
    ab = lax.dot_general(zb, cbt_ref[...], (((1,), (0,)), ((), ())),
                         preferred_element_type=jnp.float32)
    z0 = z[:, 0:1]
    z1 = z[:, 1:2]
    z2 = z[:, 2:3]
    z3 = z[:, 3:4]
    a2 = ((z0 * z0 + z1 * z1) + z2 * z2) + z3 * z3
    s = a2 + b2_ref[...]
    d2 = s - ab * 2.0
    dist = jnp.sqrt(jnp.maximum(d2, 0.0))
    rowmin = jnp.min(dist, axis=1, keepdims=True)
    lane = lax.broadcasted_iota(jnp.int32, dist.shape, 1)
    cand = jnp.where(dist <= rowmin, lane, _K)
    idx_ref[0, 0, :] = jnp.min(cand, axis=1)

    part = jnp.sum(rowmin * rowmin)
    loss_ref[...] = loss_ref[...] + jnp.reshape(part, (1, 1))

    @pl.when(i == pl.num_programs(0) - 1)
    def _fin():
        loss_ref[...] = loss_ref[...] * ((1.0 + _BETA) / (_NTOK * _D))


def _tc_argmin(z_flat, cbt, interpret=False):
    return pl.pallas_call(
        _tc_body,
        grid=(_NTOK // _R,),
        in_specs=[
            pl.BlockSpec((_R, _D), lambda i: (i, 0)),
            pl.BlockSpec((_D, _K), lambda i: (0, 0)),
        ],
        out_specs=[
            pl.BlockSpec((1, 1, _R), lambda i: (i, 0, 0)),
            pl.BlockSpec((1, 1), lambda i: (0, 0)),
        ],
        out_shape=[
            jax.ShapeDtypeStruct((_NTOK // _R, 1, _R), jnp.int32),
            jax.ShapeDtypeStruct((1, 1), jnp.float32),
        ],
        scratch_shapes=[pltpu.VMEM((1, _K), jnp.float32)],
        interpret=interpret,
    )(z_flat, cbt)


@functools.cache
def _make_sc_gather():
    @functools.partial(
        pl.kernel,
        out_type=jax.ShapeDtypeStruct((_D, _NTOK), jnp.float32),
        mesh=plsc.VectorSubcoreMesh(
            core_axis_name="c", subcore_axis_name="s", num_cores=2, num_subcores=16),
        scratch_types=[
            pltpu.VMEM((_K * _D,), jnp.float32),
            pltpu.VMEM((_BPW,), jnp.int32),
            pltpu.VMEM((_D, _BPW), jnp.float32),
        ],
        compiler_params=pltpu.CompilerParams(needs_layout_passes=False),
    )
    def _sc_gather(cb_hbm, idx_hbm, out_hbm, cb_v, idx_v, out_v):
        wid = lax.axis_index("s") * 2 + lax.axis_index("c")
        base = wid * _BPW
        pltpu.sync_copy(cb_hbm, cb_v)
        pltpu.sync_copy(idx_hbm.at[pl.ds(base, _BPW)], idx_v)

        def step(i, carry):
            addr = idx_v[pl.ds(i * _LANES, _LANES)] * _D
            for d in range(_D):
                out_v[d, pl.ds(i * _LANES, _LANES)] = plsc.load_gather(cb_v, [addr + d])
            return carry

        lax.fori_loop(0, _BPW // _LANES, step, 0)
        for d in range(_D):
            pltpu.sync_copy(out_v.at[d], out_hbm.at[d, pl.ds(base, _BPW)])

    return _sc_gather


def kernel(z_e, codebook):
    B, C, H, W = z_e.shape
    z = jnp.transpose(z_e, (0, 2, 3, 1)).reshape(-1, _D)
    idx_blocks, loss = _tc_argmin(z, codebook.T)
    idx_flat = idx_blocks.reshape(_NTOK)
    zq_planes = _make_sc_gather()(codebook.reshape(-1), idx_flat)

    z_q = jnp.transpose(zq_planes.reshape(_D, B, H, W), (1, 0, 2, 3))
    indices_img = idx_flat.reshape(B, H, W)
    vq_loss = loss[0, 0]
    return (z_q, indices_img, z_q, vq_loss)

# --- scband reference (transcript-rebuilt; emitter-appended) ---
"""Pipeline reference for scband-vqdiffusion-vae-73581379715513 (READ-ONLY COPY).

The authoritative reference and input builder live on the scoring server;
editing this copy changes nothing except your own understanding.
"""

import jax, jax.numpy as jnp
import numpy as np

CODEBOOK_K = 8192
CODEBOOK_D = 4
BETA = 0.25


def _cdist(a, b):
    # torch.cdist(a, b, p=2) equivalent: [N, K] euclidean distances
    a2 = jnp.sum(a * a, axis=1, keepdims=True)
    b2 = jnp.sum(b * b, axis=1)[None, :]
    d2 = a2 + b2 - 2.0 * (a @ b.T)
    return jnp.sqrt(jnp.maximum(d2, 0.0))


def setup_inputs(seed: int = 0) -> dict:
    key = jax.random.key(seed)
    k1, k2 = jax.random.split(key)
    z_e = jax.random.normal(k1, (4, 4, 64, 64), dtype=jnp.float32)
    # nn.init.normal_(codebook.weight, mean=0, std=0.1)
    codebook = 0.1 * jax.random.normal(k2, (CODEBOOK_K, CODEBOOK_D), dtype=jnp.float32)
    return {"z_e": z_e, "codebook": codebook}


def reference(z_e, codebook):
    B, C, H, W = z_e.shape
    z_e_flat = jnp.transpose(z_e, (0, 2, 3, 1)).reshape(-1, CODEBOOK_D)
    dist = _cdist(z_e_flat, codebook)
    indices = jnp.argmin(dist, axis=1)
    indices = jnp.clip(indices, 0, CODEBOOK_K - 1)
    z_q_flat = jnp.take(codebook, indices, axis=0)
    mask = jnp.isnan(z_q_flat) | jnp.isinf(z_q_flat)
    z_q_flat = jnp.where(mask, z_e_flat, z_q_flat)
    commitment_loss = jnp.mean((z_e_flat - jax.lax.stop_gradient(z_q_flat)) ** 2)
    codebook_loss = jnp.mean((z_q_flat - jax.lax.stop_gradient(z_e_flat)) ** 2)
    vq_loss = commitment_loss + BETA * codebook_loss
    z_q = jnp.transpose(z_q_flat.reshape(B, H, W, CODEBOOK_D), (0, 3, 1, 2))
    z_q_st = z_e + jax.lax.stop_gradient(z_q - z_e)
    indices_img = indices.reshape(B, H, W)
    return (z_q_st, indices_img, z_q, vq_loss)

if __name__ == "__main__":
    import jax
    _d = setup_inputs()
    print(jax.jit(kernel)(*tuple(_d.values())))

</pallas_src>

<mosaic_0001>
#map = affine_map<(d0, d1) -> (0)>
#map1 = affine_map<(d0, d1) -> (0, 0)>
module attributes {stable_mosaic.version = 14 : i64} {
  func.func @_sc_gather(%arg0: i32, %arg1: i32, %arg2: memref<32768xf32, #tpu.memory_space<hbm>>, %arg3: memref<16384xi32, #tpu.memory_space<hbm>>, %arg4: memref<4x16384xf32, #tpu.memory_space<hbm>>, %arg5: memref<32768xf32, #tpu.memory_space<vmem>>, %arg6: memref<512xi32, #tpu.memory_space<vmem>>, %arg7: memref<4x512xf32, #tpu.memory_space<vmem>>) attributes {dimension_semantics = [#tpu.dimension_semantics<core_parallel>, #tpu.dimension_semantics<subcore_parallel>], iteration_bounds = array<i64: 2, 16>, scalar_prefetch = 0 : i64, scratch_operands = 3 : i64, tpu.core_type = #tpu.core_type<sc_vector_subcore>, window_params = [{transform_indices = #map}, {transform_indices = #map}, {transform_indices = #map1}]} {
    %mul3A = arith.constant 2 : i32
    %mul3A_0 = arith.muli %arg1, %mul3A : i32
    %add3A = arith.addi %mul3A_0, %arg0 : i32
    %mul3A_1 = arith.constant 512 : i32
    %mul3A_2 = arith.muli %add3A, %mul3A_1 : i32
    "tpu.region"() ({
      %run_scoped3A_15 = tpu.sem_alloc : memref<!tpu.dma_semaphore, #tpu.memory_space<semaphore_mem>>
      tpu.enqueue_dma source(%arg2 : memref<32768xf32, #tpu.memory_space<hbm>>) target(%arg5 : memref<32768xf32, #tpu.memory_space<vmem>>) target_semaphore(%run_scoped3A_15 : memref<!tpu.dma_semaphore, #tpu.memory_space<semaphore_mem>>)
      tpu.wait_dma2 semaphore(%run_scoped3A_15 : memref<!tpu.dma_semaphore, #tpu.memory_space<semaphore_mem>>) src(%arg2 : memref<32768xf32, #tpu.memory_space<hbm>>) dst(%arg5 : memref<32768xf32, #tpu.memory_space<vmem>>)
      tpu.yield
    }) : () -> ()
    "tpu.region"() ({
      %run_scoped3A_15 = tpu.sem_alloc : memref<!tpu.dma_semaphore, #tpu.memory_space<semaphore_mem>>
      %dma_start3A = tpu.memref_slice %arg3[%mul3A_2] : memref<16384xi32, #tpu.memory_space<hbm>> -> memref<512xi32, #tpu.memory_space<hbm>>
      %dma_start3A_16 = tpu.memref_slice %arg3[%mul3A_2] : memref<16384xi32, #tpu.memory_space<hbm>> -> memref<512xi32, #tpu.memory_space<hbm>>
      tpu.enqueue_dma source(%dma_start3A_16 : memref<512xi32, #tpu.memory_space<hbm>>) target(%arg6 : memref<512xi32, #tpu.memory_space<vmem>>) target_semaphore(%run_scoped3A_15 : memref<!tpu.dma_semaphore, #tpu.memory_space<semaphore_mem>>)
      %dma_wait3A = tpu.memref_slice %arg3[%mul3A_2] : memref<16384xi32, #tpu.memory_space<hbm>> -> memref<512xi32, #tpu.memory_space<hbm>>
      %dma_wait3A_17 = tpu.memref_slice %arg3[%mul3A_2] : memref<16384xi32, #tpu.memory_space<hbm>> -> memref<512xi32, #tpu.memory_space<hbm>>
      tpu.wait_dma2 semaphore(%run_scoped3A_15 : memref<!tpu.dma_semaphore, #tpu.memory_space<semaphore_mem>>) src(%dma_wait3A_17 : memref<512xi32, #tpu.memory_space<hbm>>) dst(%arg6 : memref<512xi32, #tpu.memory_space<vmem>>)
      tpu.yield
    }) : () -> ()
    %scan3A = arith.constant 0 : i32
    %scan3A_3 = arith.constant 0 : i32
    %scan3A_4 = arith.constant 32 : i32
    %scan3A_5 = arith.addi %scan3A_3, %scan3A_4 : i32
    %scan3A_6 = arith.constant 1 : i32
    scf.for %scan3A_15 = %scan3A_3 to %scan3A_5 step %scan3A_6  : i32 {
      %mul3A_16 = arith.constant 16 : i32
      %mul3A_17 = arith.muli %scan3A_15, %mul3A_16 : i32
      %get3A = arith.index_cast %mul3A_17 : i32 to index
      %get3A_18 = tpu.vector_load %arg6[%get3A] {strides = array<i32>} : memref<512xi32, #tpu.memory_space<vmem>>, vector<16xi32>,
      %mul3A_19 = arith.constant 4 : i32
      %mul3A_20 = vector.broadcast %mul3A_19 : i32 to vector<16xi32>
      %mul3A_21 = arith.muli %get3A_18, %mul3A_20 : vector<16xi32>
      %add3A_22 = arith.constant 0 : i32
      %add3A_23 = vector.broadcast %add3A_22 : i32 to vector<16xi32>
      %add3A_24 = arith.addi %mul3A_21, %add3A_23 : vector<16xi32>
      %gather3A = tpu.vector_load_idx %arg5[%add3A_24] : memref<32768xf32, #tpu.memory_space<vmem>>[vector<16xi32>], vector<16xf32>,
      %mul3A_25 = arith.constant 16 : i32
      %mul3A_26 = arith.muli %scan3A_15, %mul3A_25 : i32
      %swap3A = arith.constant 0 : i32
      %swap3A_27 = arith.index_cast %swap3A : i32 to index
      %swap3A_28 = arith.index_cast %mul3A_26 : i32 to index
      %swap3A_29 = tpu.vector_load %arg7[%swap3A_27, %swap3A_28] {strides = array<i32>} : memref<4x512xf32, #tpu.memory_space<vmem>>, vector<16xf32>,
      tpu.vector_store %arg7[%swap3A_27, %swap3A_28], %gather3A {strides = array<i32>} : memref<4x512xf32, #tpu.memory_space<vmem>>, vector<16xf32>,
      %add3A_30 = arith.constant 1 : i32
      %add3A_31 = vector.broadcast %add3A_30 : i32 to vector<16xi32>
      %add3A_32 = arith.addi %mul3A_21, %add3A_31 : vector<16xi32>
      %gather3A_33 = tpu.vector_load_idx %arg5[%add3A_32] : memref<32768xf32, #tpu.memory_space<vmem>>[vector<16xi32>], vector<16xf32>,
      %mul3A_34 = arith.constant 16 : i32
      %mul3A_35 = arith.muli %scan3A_15, %mul3A_34 : i32
      %swap3A_36 = arith.constant 1 : i32
      %swap3A_37 = arith.index_cast %swap3A_36 : i32 to index
      %swap3A_38 = arith.index_cast %mul3A_35 : i32 to index
      %swap3A_39 = tpu.vector_load %arg7[%swap3A_37, %swap3A_38] {strides = array<i32>} : memref<4x512xf32, #tpu.memory_space<vmem>>, vector<16xf32>,
      tpu.vector_store %arg7[%swap3A_37, %swap3A_38], %gather3A_33 {strides = array<i32>} : memref<4x512xf32, #tpu.memory_space<vmem>>, vector<16xf32>,
      %add3A_40 = arith.constant 2 : i32
      %add3A_41 = vector.broadcast %add3A_40 : i32 to vector<16xi32>
      %add3A_42 = arith.addi %mul3A_21, %add3A_41 : vector<16xi32>
      %gather3A_43 = tpu.vector_load_idx %arg5[%add3A_42] : memref<32768xf32, #tpu.memory_space<vmem>>[vector<16xi32>], vector<16xf32>,
      %mul3A_44 = arith.constant 16 : i32
      %mul3A_45 = arith.muli %scan3A_15, %mul3A_44 : i32
      %swap3A_46 = arith.constant 2 : i32
      %swap3A_47 = arith.index_cast %swap3A_46 : i32 to index
      %swap3A_48 = arith.index_cast %mul3A_45 : i32 to index
      %swap3A_49 = tpu.vector_load %arg7[%swap3A_47, %swap3A_48] {strides = array<i32>} : memref<4x512xf32, #tpu.memory_space<vmem>>, vector<16xf32>,
      tpu.vector_store %arg7[%swap3A_47, %swap3A_48], %gather3A_43 {strides = array<i32>} : memref<4x512xf32, #tpu.memory_space<vmem>>, vector<16xf32>,
      %add3A_50 = arith.constant 3 : i32
      %add3A_51 = vector.broadcast %add3A_50 : i32 to vector<16xi32>
      %add3A_52 = arith.addi %mul3A_21, %add3A_51 : vector<16xi32>
      %gather3A_53 = tpu.vector_load_idx %arg5[%add3A_52] : memref<32768xf32, #tpu.memory_space<vmem>>[vector<16xi32>], vector<16xf32>,
      %mul3A_54 = arith.constant 16 : i32
      %mul3A_55 = arith.muli %scan3A_15, %mul3A_54 : i32
      %swap3A_56 = arith.constant 3 : i32
      %swap3A_57 = arith.index_cast %swap3A_56 : i32 to index
      %swap3A_58 = arith.index_cast %mul3A_55 : i32 to index
      %swap3A_59 = tpu.vector_load %arg7[%swap3A_57, %swap3A_58] {strides = array<i32>} : memref<4x512xf32, #tpu.memory_space<vmem>>, vector<16xf32>,
      tpu.vector_store %arg7[%swap3A_57, %swap3A_58], %gather3A_53 {strides = array<i32>} : memref<4x512xf32, #tpu.memory_space<vmem>>, vector<16xf32>,
    }
    %scan3A_7 = arith.constant 32 : i32
    %run_scoped3A = arith.constant 0 : i32
    %run_scoped3A_8 = arith.constant 0 : i32
    "tpu.region"() ({
      %run_scoped3A_15 = tpu.sem_alloc : memref<!tpu.dma_semaphore, #tpu.memory_space<semaphore_mem>>
      %dma_start3A = arith.constant 0 : i32
      %dma_start3A_16 = tpu.memref_slice %arg7[%run_scoped3A, %dma_start3A] : memref<4x512xf32, #tpu.memory_space<vmem>> -> memref<1x512xf32, #tpu.memory_space<vmem>>
      %dma_start3A_17 = tpu.memref_squeeze %dma_start3A_16 : memref<1x512xf32, #tpu.memory_space<vmem>> -> memref<512xf32, #tpu.memory_space<vmem>>
      %dma_start3A_18 = tpu.memref_slice %arg4[%run_scoped3A_8, %mul3A_2] : memref<4x16384xf32, #tpu.memory_space<hbm>> -> memref<1x512xf32, #tpu.memory_space<hbm>>
      %dma_start3A_19 = tpu.memref_squeeze %dma_start3A_18 : memref<1x512xf32, #tpu.memory_space<hbm>> -> memref<512xf32, #tpu.memory_space<hbm>>
      %dma_start3A_20 = tpu.memref_slice %arg4[%run_scoped3A_8, %mul3A_2] : memref<4x16384xf32, #tpu.memory_space<hbm>> -> memref<1x512xf32, #tpu.memory_space<hbm>>
      %dma_start3A_21 = tpu.memref_squeeze %dma_start3A_20 : memref<1x512xf32, #tpu.memory_space<hbm>> -> memref<512xf32, #tpu.memory_space<hbm>>
      %dma_start3A_22 = arith.constant 0 : i32
      %dma_start3A_23 = tpu.memref_slice %arg7[%run_scoped3A, %dma_start3A_22] : memref<4x512xf32, #tpu.memory_space<vmem>> -> memref<1x512xf32, #tpu.memory_space<vmem>>
      %dma_start3A_24 = tpu.memref_squeeze %dma_start3A_23 : memref<1x512xf32, #tpu.memory_space<vmem>> -> memref<512xf32, #tpu.memory_space<vmem>>
      tpu.enqueue_dma source(%dma_start3A_24 : memref<512xf32, #tpu.memory_space<vmem>>) target(%dma_start3A_21 : memref<512xf32, #tpu.memory_space<hbm>>) target_semaphore(%run_scoped3A_15 : memref<!tpu.dma_semaphore, #tpu.memory_space<semaphore_mem>>)
      %dma_wait3A = arith.constant 0 : i32
      %dma_wait3A_25 = tpu.memref_slice %arg7[%run_scoped3A, %dma_wait3A] : memref<4x512xf32, #tpu.memory_space<vmem>> -> memref<1x512xf32, #tpu.memory_space<vmem>>
      %dma_wait3A_26 = tpu.memref_squeeze %dma_wait3A_25 : memref<1x512xf32, #tpu.memory_space<vmem>> -> memref<512xf32, #tpu.memory_space<vmem>>
      %dma_wait3A_27 = tpu.memref_slice %arg4[%run_scoped3A_8, %mul3A_2] : memref<4x16384xf32, #tpu.memory_space<hbm>> -> memref<1x512xf32, #tpu.memory_space<hbm>>
      %dma_wait3A_28 = tpu.memref_squeeze %dma_wait3A_27 : memref<1x512xf32, #tpu.memory_space<hbm>> -> memref<512xf32, #tpu.memory_space<hbm>>
      %dma_wait3A_29 = tpu.memref_slice %arg4[%run_scoped3A_8, %mul3A_2] : memref<4x16384xf32, #tpu.memory_space<hbm>> -> memref<1x512xf32, #tpu.memory_space<hbm>>
      %dma_wait3A_30 = tpu.memref_squeeze %dma_wait3A_29 : memref<1x512xf32, #tpu.memory_space<hbm>> -> memref<512xf32, #tpu.memory_space<hbm>>
      %dma_wait3A_31 = arith.constant 0 : i32
      %dma_wait3A_32 = tpu.memref_slice %arg7[%run_scoped3A, %dma_wait3A_31] : memref<4x512xf32, #tpu.memory_space<vmem>> -> memref<1x512xf32, #tpu.memory_space<vmem>>
      %dma_wait3A_33 = tpu.memref_squeeze %dma_wait3A_32 : memref<1x512xf32, #tpu.memory_space<vmem>> -> memref<512xf32, #tpu.memory_space<vmem>>
      tpu.wait_dma2 semaphore(%run_scoped3A_15 : memref<!tpu.dma_semaphore, #tpu.memory_space<semaphore_mem>>) src(%dma_wait3A_33 : memref<512xf32, #tpu.memory_space<vmem>>) dst(%dma_wait3A_30 : memref<512xf32, #tpu.memory_space<hbm>>)
      tpu.yield
    }) : () -> ()
    %run_scoped3A_9 = arith.constant 1 : i32
    %run_scoped3A_10 = arith.constant 1 : i32
    "tpu.region"() ({
      %run_scoped3A_15 = tpu.sem_alloc : memref<!tpu.dma_semaphore, #tpu.memory_space<semaphore_mem>>
      %dma_start3A = arith.constant 0 : i32
      %dma_start3A_16 = tpu.memref_slice %arg7[%run_scoped3A_9, %dma_start3A] : memref<4x512xf32, #tpu.memory_space<vmem>> -> memref<1x512xf32, #tpu.memory_space<vmem>>
      %dma_start3A_17 = tpu.memref_squeeze %dma_start3A_16 : memref<1x512xf32, #tpu.memory_space<vmem>> -> memref<512xf32, #tpu.memory_space<vmem>>
      %dma_start3A_18 = tpu.memref_slice %arg4[%run_scoped3A_10, %mul3A_2] : memref<4x16384xf32, #tpu.memory_space<hbm>> -> memref<1x512xf32, #tpu.memory_space<hbm>>
      %dma_start3A_19 = tpu.memref_squeeze %dma_start3A_18 : memref<1x512xf32, #tpu.memory_space<hbm>> -> memref<512xf32, #tpu.memory_space<hbm>>
      %dma_start3A_20 = tpu.memref_slice %arg4[%run_scoped3A_10, %mul3A_2] : memref<4x16384xf32, #tpu.memory_space<hbm>> -> memref<1x512xf32, #tpu.memory_space<hbm>>
      %dma_start3A_21 = tpu.memref_squeeze %dma_start3A_20 : memref<1x512xf32, #tpu.memory_space<hbm>> -> memref<512xf32, #tpu.memory_space<hbm>>
      %dma_start3A_22 = arith.constant 0 : i32
      %dma_start3A_23 = tpu.memref_slice %arg7[%run_scoped3A_9, %dma_start3A_22] : memref<4x512xf32, #tpu.memory_space<vmem>> -> memref<1x512xf32, #tpu.memory_space<vmem>>
      %dma_start3A_24 = tpu.memref_squeeze %dma_start3A_23 : memref<1x512xf32, #tpu.memory_space<vmem>> -> memref<512xf32, #tpu.memory_space<vmem>>
      tpu.enqueue_dma source(%dma_start3A_24 : memref<512xf32, #tpu.memory_space<vmem>>) target(%dma_start3A_21 : memref<512xf32, #tpu.memory_space<hbm>>) target_semaphore(%run_scoped3A_15 : memref<!tpu.dma_semaphore, #tpu.memory_space<semaphore_mem>>)
      %dma_wait3A = arith.constant 0 : i32
      %dma_wait3A_25 = tpu.memref_slice %arg7[%run_scoped3A_9, %dma_wait3A] : memref<4x512xf32, #tpu.memory_space<vmem>> -> memref<1x512xf32, #tpu.memory_space<vmem>>
      %dma_wait3A_26 = tpu.memref_squeeze %dma_wait3A_25 : memref<1x512xf32, #tpu.memory_space<vmem>> -> memref<512xf32, #tpu.memory_space<vmem>>
      %dma_wait3A_27 = tpu.memref_slice %arg4[%run_scoped3A_10, %mul3A_2] : memref<4x16384xf32, #tpu.memory_space<hbm>> -> memref<1x512xf32, #tpu.memory_space<hbm>>
      %dma_wait3A_28 = tpu.memref_squeeze %dma_wait3A_27 : memref<1x512xf32, #tpu.memory_space<hbm>> -> memref<512xf32, #tpu.memory_space<hbm>>
      %dma_wait3A_29 = tpu.memref_slice %arg4[%run_scoped3A_10, %mul3A_2] : memref<4x16384xf32, #tpu.memory_space<hbm>> -> memref<1x512xf32, #tpu.memory_space<hbm>>
      %dma_wait3A_30 = tpu.memref_squeeze %dma_wait3A_29 : memref<1x512xf32, #tpu.memory_space<hbm>> -> memref<512xf32, #tpu.memory_space<hbm>>
      %dma_wait3A_31 = arith.constant 0 : i32
      %dma_wait3A_32 = tpu.memref_slice %arg7[%run_scoped3A_9, %dma_wait3A_31] : memref<4x512xf32, #tpu.memory_space<vmem>> -> memref<1x512xf32, #tpu.memory_space<vmem>>
      %dma_wait3A_33 = tpu.memref_squeeze %dma_wait3A_32 : memref<1x512xf32, #tpu.memory_space<vmem>> -> memref<512xf32, #tpu.memory_space<vmem>>
      tpu.wait_dma2 semaphore(%run_scoped3A_15 : memref<!tpu.dma_semaphore, #tpu.memory_space<semaphore_mem>>) src(%dma_wait3A_33 : memref<512xf32, #tpu.memory_space<vmem>>) dst(%dma_wait3A_30 : memref<512xf32, #tpu.memory_space<hbm>>)
      tpu.yield
    }) : () -> ()
    %run_scoped3A_11 = arith.constant 2 : i32
    %run_scoped3A_12 = arith.constant 2 : i32
    "tpu.region"() ({
      %run_scoped3A_15 = tpu.sem_alloc : memref<!tpu.dma_semaphore, #tpu.memory_space<semaphore_mem>>
      %dma_start3A = arith.constant 0 : i32
      %dma_start3A_16 = tpu.memref_slice %arg7[%run_scoped3A_11, %dma_start3A] : memref<4x512xf32, #tpu.memory_space<vmem>> -> memref<1x512xf32, #tpu.memory_space<vmem>>
      %dma_start3A_17 = tpu.memref_squeeze %dma_start3A_16 : memref<1x512xf32, #tpu.memory_space<vmem>> -> memref<512xf32, #tpu.memory_space<vmem>>
      %dma_start3A_18 = tpu.memref_slice %arg4[%run_scoped3A_12, %mul3A_2] : memref<4x16384xf32, #tpu.memory_space<hbm>> -> memref<1x512xf32, #tpu.memory_space<hbm>>
      %dma_start3A_19 = tpu.memref_squeeze %dma_start3A_18 : memref<1x512xf32, #tpu.memory_space<hbm>> -> memref<512xf32, #tpu.memory_space<hbm>>
      %dma_start3A_20 = tpu.memref_slice %arg4[%run_scoped3A_12, %mul3A_2] : memref<4x16384xf32, #tpu.memory_space<hbm>> -> memref<1x512xf32, #tpu.memory_space<hbm>>
      %dma_start3A_21 = tpu.memref_squeeze %dma_start3A_20 : memref<1x512xf32, #tpu.memory_space<hbm>> -> memref<512xf32, #tpu.memory_space<hbm>>
      %dma_start3A_22 = arith.constant 0 : i32
      %dma_start3A_23 = tpu.memref_slice %arg7[%run_scoped3A_11, %dma_start3A_22] : memref<4x512xf32, #tpu.memory_space<vmem>> -> memref<1x512xf32, #tpu.memory_space<vmem>>
      %dma_start3A_24 = tpu.memref_squeeze %dma_start3A_23 : memref<1x512xf32, #tpu.memory_space<vmem>> -> memref<512xf32, #tpu.memory_space<vmem>>
      tpu.enqueue_dma source(%dma_start3A_24 : memref<512xf32, #tpu.memory_space<vmem>>) target(%dma_start3A_21 : memref<512xf32, #tpu.memory_space<hbm>>) target_semaphore(%run_scoped3A_15 : memref<!tpu.dma_semaphore, #tpu.memory_space<semaphore_mem>>)
      %dma_wait3A = arith.constant 0 : i32
      %dma_wait3A_25 = tpu.memref_slice %arg7[%run_scoped3A_11, %dma_wait3A] : memref<4x512xf32, #tpu.memory_space<vmem>> -> memref<1x512xf32, #tpu.memory_space<vmem>>
      %dma_wait3A_26 = tpu.memref_squeeze %dma_wait3A_25 : memref<1x512xf32, #tpu.memory_space<vmem>> -> memref<512xf32, #tpu.memory_space<vmem>>
      %dma_wait3A_27 = tpu.memref_slice %arg4[%run_scoped3A_12, %mul3A_2] : memref<4x16384xf32, #tpu.memory_space<hbm>> -> memref<1x512xf32, #tpu.memory_space<hbm>>
      %dma_wait3A_28 = tpu.memref_squeeze %dma_wait3A_27 : memref<1x512xf32, #tpu.memory_space<hbm>> -> memref<512xf32, #tpu.memory_space<hbm>>
      %dma_wait3A_29 = tpu.memref_slice %arg4[%run_scoped3A_12, %mul3A_2] : memref<4x16384xf32, #tpu.memory_space<hbm>> -> memref<1x512xf32, #tpu.memory_space<hbm>>
      %dma_wait3A_30 = tpu.memref_squeeze %dma_wait3A_29 : memref<1x512xf32, #tpu.memory_space<hbm>> -> memref<512xf32, #tpu.memory_space<hbm>>
      %dma_wait3A_31 = arith.constant 0 : i32
      %dma_wait3A_32 = tpu.memref_slice %arg7[%run_scoped3A_11, %dma_wait3A_31] : memref<4x512xf32, #tpu.memory_space<vmem>> -> memref<1x512xf32, #tpu.memory_space<vmem>>
      %dma_wait3A_33 = tpu.memref_squeeze %dma_wait3A_32 : memref<1x512xf32, #tpu.memory_space<vmem>> -> memref<512xf32, #tpu.memory_space<vmem>>
      tpu.wait_dma2 semaphore(%run_scoped3A_15 : memref<!tpu.dma_semaphore, #tpu.memory_space<semaphore_mem>>) src(%dma_wait3A_33 : memref<512xf32, #tpu.memory_space<vmem>>) dst(%dma_wait3A_30 : memref<512xf32, #tpu.memory_space<hbm>>)
      tpu.yield
    }) : () -> ()
    %run_scoped3A_13 = arith.constant 3 : i32
    %run_scoped3A_14 = arith.constant 3 : i32
    "tpu.region"() ({
      %run_scoped3A_15 = tpu.sem_alloc : memref<!tpu.dma_semaphore, #tpu.memory_space<semaphore_mem>>
      %dma_start3A = arith.constant 0 : i32
      %dma_start3A_16 = tpu.memref_slice %arg7[%run_scoped3A_13, %dma_start3A] : memref<4x512xf32, #tpu.memory_space<vmem>> -> memref<1x512xf32, #tpu.memory_space<vmem>>
      %dma_start3A_17 = tpu.memref_squeeze %dma_start3A_16 : memref<1x512xf32, #tpu.memory_space<vmem>> -> memref<512xf32, #tpu.memory_space<vmem>>
      %dma_start3A_18 = tpu.memref_slice %arg4[%run_scoped3A_14, %mul3A_2] : memref<4x16384xf32, #tpu.memory_space<hbm>> -> memref<1x512xf32, #tpu.memory_space<hbm>>
      %dma_start3A_19 = tpu.memref_squeeze %dma_start3A_18 : memref<1x512xf32, #tpu.memory_space<hbm>> -> memref<512xf32, #tpu.memory_space<hbm>>
      %dma_start3A_20 = tpu.memref_slice %arg4[%run_scoped3A_14, %mul3A_2] : memref<4x16384xf32, #tpu.memory_space<hbm>> -> memref<1x512xf32, #tpu.memory_space<hbm>>
      %dma_start3A_21 = tpu.memref_squeeze %dma_start3A_20 : memref<1x512xf32, #tpu.memory_space<hbm>> -> memref<512xf32, #tpu.memory_space<hbm>>
      %dma_start3A_22 = arith.constant 0 : i32
      %dma_start3A_23 = tpu.memref_slice %arg7[%run_scoped3A_13, %dma_start3A_22] : memref<4x512xf32, #tpu.memory_space<vmem>> -> memref<1x512xf32, #tpu.memory_space<vmem>>
      %dma_start3A_24 = tpu.memref_squeeze %dma_start3A_23 : memref<1x512xf32, #tpu.memory_space<vmem>> -> memref<512xf32, #tpu.memory_space<vmem>>
      tpu.enqueue_dma source(%dma_start3A_24 : memref<512xf32, #tpu.memory_space<vmem>>) target(%dma_start3A_21 : memref<512xf32, #tpu.memory_space<hbm>>) target_semaphore(%run_scoped3A_15 : memref<!tpu.dma_semaphore, #tpu.memory_space<semaphore_mem>>)
      %dma_wait3A = arith.constant 0 : i32
      %dma_wait3A_25 = tpu.memref_slice %arg7[%run_scoped3A_13, %dma_wait3A] : memref<4x512xf32, #tpu.memory_space<vmem>> -> memref<1x512xf32, #tpu.memory_space<vmem>>
      %dma_wait3A_26 = tpu.memref_squeeze %dma_wait3A_25 : memref<1x512xf32, #tpu.memory_space<vmem>> -> memref<512xf32, #tpu.memory_space<vmem>>
      %dma_wait3A_27 = tpu.memref_slice %arg4[%run_scoped3A_14, %mul3A_2] : memref<4x16384xf32, #tpu.memory_space<hbm>> -> memref<1x512xf32, #tpu.memory_space<hbm>>
      %dma_wait3A_28 = tpu.memref_squeeze %dma_wait3A_27 : memref<1x512xf32, #tpu.memory_space<hbm>> -> memref<512xf32, #tpu.memory_space<hbm>>
      %dma_wait3A_29 = tpu.memref_slice %arg4[%run_scoped3A_14, %mul3A_2] : memref<4x16384xf32, #tpu.memory_space<hbm>> -> memref<1x512xf32, #tpu.memory_space<hbm>>
      %dma_wait3A_30 = tpu.memref_squeeze %dma_wait3A_29 : memref<1x512xf32, #tpu.memory_space<hbm>> -> memref<512xf32, #tpu.memory_space<hbm>>
      %dma_wait3A_31 = arith.constant 0 : i32
      %dma_wait3A_32 = tpu.memref_slice %arg7[%run_scoped3A_13, %dma_wait3A_31] : memref<4x512xf32, #tpu.memory_space<vmem>> -> memref<1x512xf32, #tpu.memory_space<vmem>>
      %dma_wait3A_33 = tpu.memref_squeeze %dma_wait3A_32 : memref<1x512xf32, #tpu.memory_space<vmem>> -> memref<512xf32, #tpu.memory_space<vmem>>
      tpu.wait_dma2 semaphore(%run_scoped3A_15 : memref<!tpu.dma_semaphore, #tpu.memory_space<semaphore_mem>>) src(%dma_wait3A_33 : memref<512xf32, #tpu.memory_space<vmem>>) dst(%dma_wait3A_30 : memref<512xf32, #tpu.memory_space<hbm>>)
      tpu.yield
    }) : () -> ()
    return
  }
}

module attributes {stable_mosaic.version = 14 : i64} {
  func.func @_tc_body(%arg0: i32, %arg1: memref<256x4xf32, #tpu.memory_space<vmem>>, %arg2: memref<4x8192xf32, #tpu.memory_space<vmem>>, %arg3: memref<1x1x256xi32, #tpu.memory_space<vmem>>, %arg4: memref<1x1xf32, #tpu.memory_space<vmem>>, %arg5: memref<1x8192xf32, #tpu.memory_space<vmem>>) attributes {dimension_semantics = [#tpu.dimension_semantics<arbitrary>], iteration_bounds = array<i64: 64>, scalar_prefetch = 0 : i64, scratch_operands = 1 : i64, tpu.core_type = #tpu.core_type<tc>, window_params = [{transform_indices = @transform_0, window_bounds = array<i64: 256, 4>}, {pipeline_mode = #tpu.pipeline_mode<synchronous>, transform_indices = @transform_1, window_bounds = array<i64: 4, 8192>}, {transform_indices = @transform_2, window_bounds = array<i64: 1, 1, 256>}, {pipeline_mode = #tpu.pipeline_mode<synchronous>, transform_indices = @transform_3, window_bounds = array<i64: 1, 1>}]} {
    %eq3A = arith.constant 0 : i32
    %eq3A_0 = arith.cmpi eq, %arg0, %eq3A : i32
    %convert_element_type3A = arith.extui %eq3A_0 : i1 to i32
    %cond3A = arith.constant 0 : i32
    %cond3A_1 = arith.cmpi ne, %convert_element_type3A, %cond3A : i32
    scf.if %cond3A_1 {
      %get3A_66 = arith.constant 0 : index
      %get3A_67 = arith.constant 0 : index
      %get3A_68 = vector.load %arg2[%get3A_66, %get3A_67] : memref<4x8192xf32, #tpu.memory_space<vmem>>, vector<4x8192xf32>
      %slice3A_69 = vector.extract_strided_slice %get3A_68 {offsets = [0, 0], sizes = [1, 8192], strides = [1, 1]} : vector<4x8192xf32> to vector<1x8192xf32>
      %slice3A_70 = vector.extract_strided_slice %get3A_68 {offsets = [1, 0], sizes = [1, 8192], strides = [1, 1]} : vector<4x8192xf32> to vector<1x8192xf32>
      %slice3A_71 = vector.extract_strided_slice %get3A_68 {offsets = [2, 0], sizes = [1, 8192], strides = [1, 1]} : vector<4x8192xf32> to vector<1x8192xf32>
      %slice3A_72 = vector.extract_strided_slice %get3A_68 {offsets = [3, 0], sizes = [1, 8192], strides = [1, 1]} : vector<4x8192xf32> to vector<1x8192xf32>
      %mul3A_73 = arith.mulf %slice3A_69, %slice3A_69 : vector<1x8192xf32>
      %mul3A_74 = arith.mulf %slice3A_70, %slice3A_70 : vector<1x8192xf32>
      %add3A_75 = arith.addf %mul3A_73, %mul3A_74 : vector<1x8192xf32>
      %mul3A_76 = arith.mulf %slice3A_71, %slice3A_71 : vector<1x8192xf32>
      %add3A_77 = arith.addf %add3A_75, %mul3A_76 : vector<1x8192xf32>
      %mul3A_78 = arith.mulf %slice3A_72, %slice3A_72 : vector<1x8192xf32>
      %add3A_79 = arith.addf %add3A_77, %mul3A_78 : vector<1x8192xf32>
      %swap3A_80 = arith.constant 0 : index
      %swap3A_81 = arith.constant 0 : index
      %swap3A_82 = vector.load %arg5[%swap3A_80, %swap3A_81] : memref<1x8192xf32, #tpu.memory_space<vmem>>, vector<1x8192xf32>
      tpu.vector_store %arg5[%swap3A_80, %swap3A_81], %add3A_79 {strides = array<i32>} : memref<1x8192xf32, #tpu.memory_space<vmem>>, vector<1x8192xf32>,
      %broadcast_in_dim3A_83 = arith.constant 0.000000e+00 : f32
      %broadcast_in_dim3A_84 = vector.broadcast %broadcast_in_dim3A_83 : f32 to vector<1x1xf32>
      %swap3A_85 = arith.constant 0 : index
      %swap3A_86 = arith.constant 0 : index
      %swap3A_87 = vector.load %arg4[%swap3A_85, %swap3A_86] : memref<1x1xf32, #tpu.memory_space<vmem>>, vector<1x1xf32>
      tpu.vector_store %arg4[%swap3A_85, %swap3A_86], %broadcast_in_dim3A_84 {strides = array<i32>} : memref<1x1xf32, #tpu.memory_space<vmem>>, vector<1x1xf32>,
    } else {
    }
    %get3A = arith.constant 0 : index
    %get3A_2 = arith.constant 0 : index
    %get3A_3 = vector.load %arg1[%get3A, %get3A_2] : memref<256x4xf32, #tpu.memory_space<vmem>>, vector<256x4xf32>
    %bitcast_convert_type3A = tpu.bitcast %get3A_3 : vector<256x4xf32> -> vector<256x4xi32>
    %add3A = arith.constant 32767 : i32
    %add3A_4 = vector.broadcast %add3A : i32 to vector<256x4xi32>
    %add3A_5 = arith.addi %bitcast_convert_type3A, %add3A_4 : vector<256x4xi32>
    %shift_right_logical3A = arith.constant 16 : i32
    %shift_right_logical3A_6 = vector.broadcast %shift_right_logical3A : i32 to vector<256x4xi32>
    %shift_right_logical3A_7 = arith.shrui %bitcast_convert_type3A, %shift_right_logical3A_6 : vector<256x4xi32>
    %and3A = arith.constant 1 : i32
    %and3A_8 = vector.broadcast %and3A : i32 to vector<256x4xi32>
    %and3A_9 = arith.andi %shift_right_logical3A_7, %and3A_8 : vector<256x4xi32>
    %add3A_10 = arith.addi %add3A_5, %and3A_9 : vector<256x4xi32>
    %and3A_11 = arith.constant -65536 : i32
    %and3A_12 = vector.broadcast %and3A_11 : i32 to vector<256x4xi32>
    %and3A_13 = arith.andi %add3A_10, %and3A_12 : vector<256x4xi32>
    %bitcast_convert_type3A_14 = tpu.bitcast %and3A_13 : vector<256x4xi32> -> vector<256x4xf32>
    %get3A_15 = arith.constant 0 : index
    %get3A_16 = arith.constant 0 : index
    %get3A_17 = vector.load %arg2[%get3A_15, %get3A_16] : memref<4x8192xf32, #tpu.memory_space<vmem>>, vector<4x8192xf32>
    %dot_general3A = arith.constant dense<0.000000e+00> : vector<256x8192xf32>
    %dot_general3A_18 = tpu.matmul %bitcast_convert_type3A_14, %get3A_17, %dot_general3A {dimension_numbers = #tpu.dot_dimension_numbers<[1], [0], [0], [1], [0, 0, 1, 1], [], []>, transpose_lhs_hint = false} : vector<256x4xf32>, vector<4x8192xf32>, vector<256x8192xf32> -> vector<256x8192xf32>
    %slice3A = vector.extract_strided_slice %get3A_3 {offsets = [0, 0], sizes = [256, 1], strides = [1, 1]} : vector<256x4xf32> to vector<256x1xf32>
    %slice3A_19 = vector.extract_strided_slice %get3A_3 {offsets = [0, 1], sizes = [256, 1], strides = [1, 1]} : vector<256x4xf32> to vector<256x1xf32>
    %slice3A_20 = vector.extract_strided_slice %get3A_3 {offsets = [0, 2], sizes = [256, 1], strides = [1, 1]} : vector<256x4xf32> to vector<256x1xf32>
    %slice3A_21 = vector.extract_strided_slice %get3A_3 {offsets = [0, 3], sizes = [256, 1], strides = [1, 1]} : vector<256x4xf32> to vector<256x1xf32>
    %mul3A = arith.mulf %slice3A, %slice3A : vector<256x1xf32>
    %mul3A_22 = arith.mulf %slice3A_19, %slice3A_19 : vector<256x1xf32>
    %add3A_23 = arith.addf %mul3A, %mul3A_22 : vector<256x1xf32>
    %mul3A_24 = arith.mulf %slice3A_20, %slice3A_20 : vector<256x1xf32>
    %add3A_25 = arith.addf %add3A_23, %mul3A_24 : vector<256x1xf32>
    %mul3A_26 = arith.mulf %slice3A_21, %slice3A_21 : vector<256x1xf32>
    %add3A_27 = arith.addf %add3A_25, %mul3A_26 : vector<256x1xf32>
    %get3A_28 = arith.constant 0 : index
    %get3A_29 = arith.constant 0 : index
    %get3A_30 = vector.load %arg5[%get3A_28, %get3A_29] : memref<1x8192xf32, #tpu.memory_space<vmem>>, vector<1x8192xf32>
    %add3A_31 = vector.broadcast %add3A_27 : vector<256x1xf32> to vector<256x8192xf32>
    %add3A_32 = vector.broadcast %get3A_30 : vector<1x8192xf32> to vector<256x8192xf32>
    %add3A_33 = arith.addf %add3A_31, %add3A_32 : vector<256x8192xf32>
    %mul3A_34 = arith.constant 2.000000e+00 : f32
    %mul3A_35 = vector.broadcast %mul3A_34 : f32 to vector<256x8192xf32>
    %mul3A_36 = arith.mulf %dot_general3A_18, %mul3A_35 : vector<256x8192xf32>
    %sub3A = arith.subf %add3A_33, %mul3A_36 : vector<256x8192xf32>
    %max3A = arith.constant 0.000000e+00 : f32
    %max3A_37 = vector.broadcast %max3A : f32 to vector<256x8192xf32>
    %max3A_38 = arith.maximumf %sub3A, %max3A_37 : vector<256x8192xf32>
    %sqrt3A = math.sqrt %max3A_38 : vector<256x8192xf32>
    %reduce_min3A = arith.constant dense<0x7F800000> : vector<256xf32>
    %reduce_min3A_39 = vector.multi_reduction <minimumf>, %sqrt3A, %reduce_min3A [1] : vector<256x8192xf32> to vector<256xf32>
    %broadcast_in_dim3A = vector.shape_cast %reduce_min3A_39 : vector<256xf32> to vector<256x1xf32>
    %iota3A = tpu.iota {dimensions = array<i32: 1>} : vector<256x8192xi32>
    %le3A = vector.broadcast %broadcast_in_dim3A : vector<256x1xf32> to vector<256x8192xf32>
    %le3A_40 = arith.cmpf ole, %sqrt3A, %le3A : vector<256x8192xf32>
    %jit3A = arith.constant 8192 : i32
    %broadcast_in_dim3A_41 = vector.broadcast %jit3A : i32 to vector<256x8192xi32>
    %select_n3A = arith.select %le3A_40, %iota3A, %broadcast_in_dim3A_41 : vector<256x8192xi1>, vector<256x8192xi32>
    %reduce_min3A_42 = arith.constant dense<2147483647> : vector<256xi32>
    %reduce_min3A_43 = vector.multi_reduction <minsi>, %select_n3A, %reduce_min3A_42 [1] : vector<256x8192xi32> to vector<256xi32>
    %swap3A = arith.constant 0 : index
    %swap3A_44 = arith.constant 0 : index
    %swap3A_45 = arith.constant 0 : index
    %swap3A_46 = vector.load %arg3[%swap3A, %swap3A_44, %swap3A_45] : memref<1x1x256xi32, #tpu.memory_space<vmem>>, vector<1x1x256xi32>
    %swap3A_47 = vector.shape_cast %swap3A_46 : vector<1x1x256xi32> to vector<256xi32>
    %swap3A_48 = vector.shape_cast %reduce_min3A_43 : vector<256xi32> to vector<1x1x256xi32>
    tpu.vector_store %arg3[%swap3A, %swap3A_44, %swap3A_45], %swap3A_48 {strides = array<i32>} : memref<1x1x256xi32, #tpu.memory_space<vmem>>, vector<1x1x256xi32>,
    %mul3A_49 = arith.mulf %broadcast_in_dim3A, %broadcast_in_dim3A : vector<256x1xf32>
    %reduce_sum3A = vector.shape_cast %mul3A_49 : vector<256x1xf32> to vector<1x256x1xf32>
    %reduce_sum3A_50 = arith.constant dense<0.000000e+00> : vector<1xf32>
    %reduce_sum3A_51 = vector.multi_reduction <add>, %reduce_sum3A, %reduce_sum3A_50 [1, 2] : vector<1x256x1xf32> to vector<1xf32>
    %reduce_sum3A_52 = vector.shape_cast %reduce_sum3A_51 : vector<1xf32> to vector<1x1x1xf32>
    %reduce_sum3A_53 = vector.extract %reduce_sum3A_52[0, 0, 0] : f32 from vector<1x1x1xf32>
    %get3A_54 = arith.constant 0 : index
    %get3A_55 = arith.constant 0 : index
    %get3A_56 = vector.load %arg4[%get3A_54, %get3A_55] : memref<1x1xf32, #tpu.memory_space<vmem>>, vector<1x1xf32>
    %reshape3A = vector.broadcast %reduce_sum3A_53 : f32 to vector<1x1xf32>
    %add3A_57 = arith.addf %get3A_56, %reshape3A : vector<1x1xf32>
    %swap3A_58 = arith.constant 0 : index
    %swap3A_59 = arith.constant 0 : index
    %swap3A_60 = vector.load %arg4[%swap3A_58, %swap3A_59] : memref<1x1xf32, #tpu.memory_space<vmem>>, vector<1x1xf32>
    tpu.vector_store %arg4[%swap3A_58, %swap3A_59], %add3A_57 {strides = array<i32>} : memref<1x1xf32, #tpu.memory_space<vmem>>, vector<1x1xf32>,
    %eq3A_61 = arith.constant 63 : i32
    %eq3A_62 = arith.cmpi eq, %arg0, %eq3A_61 : i32
    %convert_element_type3A_63 = arith.extui %eq3A_62 : i1 to i32
    %cond3A_64 = arith.constant 0 : i32
    %cond3A_65 = arith.cmpi ne, %convert_element_type3A_63, %cond3A_64 : i32
    scf.if %cond3A_65 {
      %get3A_66 = arith.constant 0 : index
      %get3A_67 = arith.constant 0 : index
      %get3A_68 = vector.load %arg4[%get3A_66, %get3A_67] : memref<1x1xf32, #tpu.memory_space<vmem>>, vector<1x1xf32>
      %mul3A_69 = arith.constant 1.90734863E-5 : f32
      %mul3A_70 = vector.broadcast %mul3A_69 : f32 to vector<1x1xf32>
      %mul3A_71 = arith.mulf %get3A_68, %mul3A_70 : vector<1x1xf32>
      %swap3A_72 = arith.constant 0 : index
      %swap3A_73 = arith.constant 0 : index
      %swap3A_74 = vector.load %arg4[%swap3A_72, %swap3A_73] : memref<1x1xf32, #tpu.memory_space<vmem>>, vector<1x1xf32>
      tpu.vector_store %arg4[%swap3A_72, %swap3A_73], %mul3A_71 {strides = array<i32>} : memref<1x1xf32, #tpu.memory_space<vmem>>, vector<1x1xf32>,
    } else {
    }
    return
  }
  func.func @transform_0(%arg0: i32) -> (i32, i32) {
    %c0_i32 = arith.constant 0 : i32
    %c0_i32_0 = arith.constant 0 : i32
    return %arg0, %c0_i32 : i32, i32
  }
  func.func @transform_1(%arg0: i32) -> (i32, i32) {
    %c0_i32 = arith.constant 0 : i32
    %c0_i32_0 = arith.constant 0 : i32
    %c0_i32_1 = arith.constant 0 : i32
    return %c0_i32, %c0_i32_0 : i32, i32
  }
  func.func @transform_2(%arg0: i32) -> (i32, i32, i32) {
    %c0_i32 = arith.constant 0 : i32
    %c0_i32_0 = arith.constant 0 : i32
    %c0_i32_1 = arith.constant 0 : i32
    return %arg0, %c0_i32, %c0_i32_0 : i32, i32, i32
  }
  func.func @transform_3(%arg0: i32) -> (i32, i32) {
    %c0_i32 = arith.constant 0 : i32
    %c0_i32_0 = arith.constant 0 : i32
    %c0_i32_1 = arith.constant 0 : i32
    return %c0_i32, %c0_i32_0 : i32, i32
  }
}

</mosaic_0001>

<sc_bundles>
// kernel: kernel.4.cloned.1.call-start
scs
__scs_entry_jumppad:
0x0: {  	(pc) =	sbr.rel $0x88, $3  }
0x1: {  	(tag) =	ssettag $0x0;
	lr =	simm.s32 $0x1  }
0x2: {  	[smem:$0x3F9F] =	sst lr;
	_ =	strace $0xD0000000  }
0x3: {  	_ = 	snop  }
0x4: {  	_ = 	snop  }
0x5: {  	_ = 	snop  }
0x6: {  	_ = 	snop  }
0x7: {  	_ = 	snop  }
__scs_overlays_trampoline_lowered:
0x8: {  	[smem:$0x3FAE] =	sst s0  }
0x9: {  	[smem:$0x3FAF] =	sst s1  }
0xa: {  	[smem:$0x3FB0] =	sst s2  }
0xb: {  	[smem:$0x3FB1] =	sst s3  }
0xc: {  	[smem:$0x3FB2] =	sst s4  }
0xd: {  	[smem:$0x3FB3] =	sst s5  }
0xe: {  	[smem:$0x3FB4] =	sst s6  }
0xf: {  	[smem:$0x3FB5] =	sst s7  }
0x10: {  	[smem:$0x3FB6] =	sst s8  }
0x11: {  	[smem:$0x3FB7] =	sst s9;
	s0 =	simm.s32 @!p0 $0x0  }
0x12: {  	s1 =	sld [smem:$0x3F9D];
	s0 =	simm.s32 @p0 $0x1  }
0x13: {  	[smem:$0x3FB8] =	sst s0;
	s0 =	simm.s32 @!p1 $0x0  }
0x14: {  	s2 =	sld [smem:$0x3F9C];
	s0 =	simm.s32 @p1 $0x1  }
0x15: {  	[smem:$0x3FB9] =	sst s0;
	s0 =	simm.s32 @!p2 $0x0  }
0x16: {  	s3 =	sld [smem:$0x3FDB];
	s0 =	simm.s32 @p2 $0x1  }
0x17: {  	s4 =	simm.s32 $0x1BF5;
	[smem:$0x3FBB] =	sst s0  }
0x18: {  	s0 =	sld [smem:$0x3F9E];
	_ =	swait.ge [sflag:s4], $0x0  }
0x19: {  	s7 =	sld [smem:$0x3F9F]  }
0x1a: {  	s8 =	sadd.s32 $0xFFFFE003, lr  }
0x1b: {  	s9 =	sadd.s32 $0xFFFFFEF7, lr;
	s5 =	simm.s32 $0xFFFFFFFF;
	p2 =	slt.u32 s8, $0xFFFFF086  }
0x1c: {  	p1 =	slt.u32 s9, $0xF7A;
	s5 =	simm.s32 @!p2 $0x0  }
0x1d: {  	s5 =	simm.s32 @p1 $0x1;
	p0 =	seq.s32 s7, s2  }
0x1e: {  	s7 =	smul.u32 @!p0 $0xF7A, s2;
	p2 =	seq.s32 @!p0 s5, $0x0  }
0x1f: {  	s9 =	smul.u32 $0xF7A, s1;
	s8 =	simm.s32 @!p0 $0x1BF5;
	p2 =	por !p2, p0  }
0x20: {  	[sflag:s8] =	ssyncset.s32 @!p0 $0xFFFFF086;
	s6 =	sadd.s32 @!p0 s3, s7;
	s7 =	simm.s32 @!p0 $0x108  }
0x21: {  	s3 =	sadd.s32 s3, s9;
	s6 =	sadd.s32 @!p0 $0x88, s6;
	s7 =	simm.s32 @p2 $0x1082  }
0x22: {  	[simem:s7], [sflag:s8] =	dma.local @!p0 [hbm:s6], $0xF7A  }
0x23: {  	s9 =	sor.u32 $0xD0000000, s2;
	s6 =	simm.s32 $0x108;
	_ =	swait.ge @!p0 [sflag:s8], $0x0  }
0x24: {  	s3 =	sadd.s32 $0x88, s3;
	s6 =	simm.s32 @!p1 $0x1082;
	[sflag:s4] =	ssyncset.s32 $0xFFFFF086  }
0x25: {  	[simem:s6], [sflag:s4] =	dma.local [hbm:s3], $0xF7A  }
0x26: {  	[smem:$0x3F9F] =	sst s1;
	(tag) =	ssettag s2;
	_ =	strace s9  }
0x27: {  	s1 =	sld [smem:$0x3FAF]  }
0x28: {  	s2 =	sld [smem:$0x3FB0]  }
0x29: {  	s4 =	sld [smem:$0x3FB2]  }
0x2a: {  	p0 =	seq.s32 s5, $0x0;
	s5 =	sld [smem:$0x3FB3]  }
0x2b: {  	s6 =	sld [smem:$0x3FB4]  }
0x2c: {  	s7 =	sld [smem:$0x3FB5]  }
0x2d: {  	s3 =	simm.s32 $0x108;
	s8 =	sld [smem:$0x3FB6]  }
0x2e: {  	s3 =	simm.s32 @!p0 $0x1082;
	s9 =	sld [smem:$0x3FB7]  }
0x2f: {  	lr =	sadd.s32 s0, s3;
	s0 =	sld [smem:$0x3FAE]  }
0x30: {  	s3 =	sld [smem:$0x3FB1]  }
0x31: {  	[smem:$0x3FBA] =	sst s10  }
0x32: {  	s10 =	sld [smem:$0x3FB8];
	_ =	sdelay $0x3  }
0x33: {  	p0 =	seq.s32 s10, $0x1;
	s10 =	sld [smem:$0x3FBA];
	_ =	sdelay $0x3  }
0x34: {  	[smem:$0x3FBA] =	sst s10  }
0x35: {  	s10 =	sld [smem:$0x3FB9];
	_ =	sdelay $0x3  }
0x36: {  	p1 =	seq.s32 s10, $0x1;
	s10 =	sld [smem:$0x3FBA];
	_ =	sdelay $0x3  }
0x37: {  	[smem:$0x3FBA] =	sst s10  }
0x38: {  	s10 =	sld [smem:$0x3FBB]  }
0x39: {  	_ = 	snop;
	(pc) =	sbr.ind lr, $3  }
0x3a: {  	_ = 	snop  }
0x3b: {  	_ = 	snop  }
0x3c: {  	p2 =	seq.s32 s10, $0x1;
	s10 =	sld [smem:$0x3FBA]  }
0x3d: {  	_ =	shalt  }
0x3e: {  	_ =	shalt  }
0x3f: {  	_ =	shalt  }
0x40: {  	_ =	shalt  }
0x41: {  	_ =	shalt  }
0x42: {  	_ =	shalt  }
0x43: {  	_ =	shalt  }
0x44: {  	_ =	shalt  }
0x45: {  	_ =	shalt  }
0x46: {  	_ =	shalt  }
0x47: {  	_ =	shalt  }
0x48: {  	_ =	shalt  }
0x49: {  	_ =	shalt  }
0x4a: {  	_ =	shalt  }
0x4b: {  	_ =	shalt  }
0x4c: {  	_ =	shalt  }
0x4d: {  	_ =	shalt  }
0x4e: {  	_ =	shalt  }
0x4f: {  	_ =	shalt  }
0x50: {  	_ =	shalt  }
0x51: {  	_ =	shalt  }
0x52: {  	_ =	shalt  }
0x53: {  	_ =	shalt  }
0x54: {  	_ =	shalt  }
0x55: {  	_ =	shalt  }
0x56: {  	_ =	shalt  }
0x57: {  	_ =	shalt  }
0x58: {  	_ =	shalt  }
0x59: {  	_ =	shalt  }
0x5a: {  	_ =	shalt  }
0x5b: {  	_ =	shalt  }
0x5c: {  	_ =	shalt  }
0x5d: {  	_ =	shalt  }
0x5e: {  	_ =	shalt  }
0x5f: {  	_ =	shalt  }
0x60: {  	_ =	shalt  }
0x61: {  	_ =	shalt  }
0x62: {  	_ =	shalt  }
0x63: {  	_ =	shalt  }
0x64: {  	_ =	shalt  }
0x65: {  	_ =	shalt  }
0x66: {  	_ =	shalt  }
0x67: {  	_ =	shalt  }
0x68: {  	_ =	shalt  }
0x69: {  	_ =	shalt  }
0x6a: {  	_ =	shalt  }
0x6b: {  	_ =	shalt  }
0x6c: {  	_ =	shalt  }
0x6d: {  	_ =	shalt  }
0x6e: {  	_ =	shalt  }
0x6f: {  	_ =	shalt  }
0x70: {  	_ =	shalt  }
0x71: {  	_ =	shalt  }
0x72: {  	_ =	shalt  }
0x73: {  	_ =	shalt  }
0x74: {  	_ =	shalt  }
0x75: {  	_ =	shalt  }
0x76: {  	_ =	shalt  }
0x77: {  	_ =	shalt  }
0x78: {  	_ =	shalt  }
0x79: {  	_ =	shalt  }
0x7a: {  	_ =	shalt  }
0x7b: {  	_ =	shalt  }
0x7c: {  	_ =	shalt  }
0x7d: {  	_ =	shalt  }
0x7e: {  	_ =	shalt  }
0x7f: {  	_ =	shalt  }
0x80: {  	_ =	shalt  }
0x81: {  	_ =	shalt  }
0x82: {  	_ =	shalt  }
0x83: {  	_ =	shalt  }
0x84: {  	_ =	shalt  }
0x85: {  	_ =	shalt  }
0x86: {  	_ =	shalt  }
0x87: {  	_ =	shalt  }
.Lfunc_end0:
.L_simem_size_0:
called_computation_lowered:
.L_overlay_start_0:
0x88: {  	s2 =	sld [smem:$0x3FD9]  }
0x89: {  	s3 =	sld [smem:$0x3FFE];
	_ =	sdelay $0x1  }
0x8a: {  	s1 =	srdreg.scid  }
0x8b: {  	s0 =	sand.u32 $0x1, s1  }
0x8c: {  	s14 =	sshll.u32 s0, $0xA;
	s2 =	sadd.s32 s3, s2  }
0x8d: {  	s2 =	sadd.s32 s2, s14  }
0x8e: {  	[smem:$0x3FC6] =	sst s2  }
0x8f: {  	_ = 	snop  }
0x90: {  	s2 =	sld [smem:$0x3FD0];
	_ =	sdelay $0x2  }
0x91: {  	s15 =	simm.s32 $0xA;
	s4 =	simm.s32 $0x10  }
0x92: {  	[smem:s4], [sflag:s15] =	dma.local [hbm:s2], $0x1  }
0x93: {  	_ =	swait.eq [sflag:s15], $0x1  }
0x94: {  	[sflag:s15] =	ssyncset.done $0x0  }
0x95: {  	s16 =	sld [smem:$0x10];
	[sflag:s15] =	ssyncadd.s32 $0xFFFFFFFF  }
0x96: {  	s17 =	sld [smem:$0x12];
	(tm) =	ssettm $0x1  }
0x97: {  	s18 =	sld [smem:$0x3FFB];
	_ =	sdelay $0x3  }
0x98: {  	_ =	strace s18  }
0x99: {  	s4 =	sld [smem:$0x3FFC];
	_ =	sdelay $0x3  }
0x9a: {  	_ =	strace s4  }
0x9b: {  	s4 =	sld [smem:$0x3FFD];
	_ =	sdelay $0x3  }
0x9c: {  	_ =	strace s4  }
0x9d: {  	_ =	strace $0x8FFFFFFF  }
0x9e: {  	s19 =	sld [smem:$0x3FDB];
	_ =	sdelay $0x1  }
0x9f: {  	s5 =	simm.s32 $_scs_section_size  }
0xa0: {  	s6 =	simm.s32 $_size__tile_overlayer_lowered;
	s7 =	simm.s32 $_tile_overlayer_lowered  }
0xa1: {  	s22 =	simm.s32 $0x1BFF;
	s21 =	sshll.u32 s7, $0x1;
	s4 =	sadd.s32 s5, s19  }
0xa2: {  	s8 =	simm.s32 $0x0;
	s20 =	sshll.u32 s6, $0x1;
	s6 =	sadd.s32 s21, s4  }
0xa3: {  	[timem:s8], [sflag:s22] =	dma.local [hbm:s6], s20  }
0xa4: {  	_ =	swait.ge [sflag:s22], s20  }
0xa5: {  	s5 =	ssub.s32 $0x0, s20;
	[sflag:s22] =	ssyncset.done $0x0  }
0xa6: {  	[sflag:s22] =	ssyncadd.s32 s5;
	_ =	sdelay $0x1  }
0xa7: {  	s23 =	simm.s32 $0x1B8B  }
0xa8: {  	_ =	swait.ge [sflag:s23], $0x1  }
0xa9: {  	[sflag:s23] =	ssyncset.done $0x0  }
0xaa: {  	s25 =	simm.s32 $0x1B8E;
	s24 =	sld [smem:$0x3FFE];
	[sflag:s23] =	ssyncadd.s32 $0xFFFFFFFF  }
0xab: {  	s26 =	simm.s32 $execute0_lowered;
	[smem:$0x3FD2] =	sst s25  }
0xac: {  	s6 =	sshll.u32 s26, $0x1;
	_ =	strace $0x80000046;
	[dreg:$0x1] =	wrdreg $0xFFFFFFFF  }
0xad: {  	s28 =	simm.s32 $_size_execute0_lowered;
	s4 =	sadd.s32 s4, s6;
	[dreg:$0x0] =	wrdreg $0x0  }
0xae: {  	s6 =	sshll.u32 s28, $0x1;
	[dreg:$0x2] =	wrdreg s4  }
0xaf: {  	[dreg:$0x3] =	wrdreg s6  }
0xb0: {  	[dreg:$0x4] =	wrdreg $0xC0  }
0xb1: {  	_ =	task [dreg:s8], $0x5FFFF  }
0xb2: {  	[dreg:$0x1] =	wrdreg $0xFFFFFFFF  }
0xb3: {  	[dreg:$0x0] =	wrdreg $0x60  }
0xb4: {  	[dreg:$0x2] =	wrdreg s16  }
0xb5: {  	[dreg:$0x3] =	wrdreg s24  }
0xb6: {  	[dreg:$0x4] =	wrdreg s17  }
0xb7: {  	[dreg:$0x5] =	wrdreg $0x9  }
0xb8: {  	_ =	task.clear_ibuf [dreg:s8], $0x6FFFF;
	_ =	strace $0x90000046  }
0xb9: {  	s29 =	simm.s32 $0x9;
	_ =	strace $0x80000048  }
0xba: {  	_ =	swait.ge [sflag:s29], $0x1  }
0xbb: {  	[sflag:s29] =	ssyncadd.s32 $0xFFFFFFFF  }
0xbc: {  	_ =	strace $0x90000048  }
0xbd: {  	_ =	sfence  }
0xbe: {  	s30 =	sld [smem:$0x0];
	_ =	sdelay $0x2  }
0xbf: {  	s31 =	sshll.u32 s1, $0xD;
	s1 =	sshrl.u32 s1, $0x2  }
0xc0: {  	s3 =	sand.u32 $0x4000, s31;
	s1 =	sadd.s32 s1, s30  }
0xc1: {  	s0 =	sor.u32 s3, s0;
	s1 =	sshll.u32 s1, $0x11  }
0xc2: {  	s0 =	sor.u32 s1, s0  }
0xc3: {  	s0 =	sadd.s32 $0x8F2B, s0  }
0xc4: {  	[sflag:s0] =	ssyncadd.remote.s32 $0x1  }
0xc5: {  	_ =	sfence.sel $0xFFFF  }
0xc6: {  	[dreg:$0x0] =	wrdreg $0xFFFFFFFF;
	(pc) =	sbr.abs _section_cstart, $3  }
0xc7: {  	[dreg:$0x1] =	wrdreg $0xFFFFFFFF  }
0xc8: {  	_ =	task.clear_ibuf [dreg:s8], $0x2FFFF;
	_ =	strace $0x9FFFFFFF  }
0xc9: {  	(tm) =	ssettm $0x7FFFFFFF  }
tec
execute0_lowered:
.L_overlay_start_1:
0x0: {  	(tag) =	ssettag $0x1  }
0x1: {  	s0 =	rddreg [dreg:$0x1]  }
0x2: {  	s1 =	rddreg [dreg:$0x2]  }
0x3: {  	s2 =	srdreg.scid;
	s3 =	simm.s32 $0x0;
	s4 =	stileid.u32  }
0x4: {  	s10 =	simm.s32 $0x1;
	s21 =	simm.s32 $0x8480;
	s23 =	simm.s32 $0x8680  }
0x5: {  	s24 =	simm.s32 $0x8880;
	s28 =	simm.s32 $0x8700;
	s29 =	simm.s32 $0x8900  }
0x6: {  	s30 =	simm.s32 $0x8380;
	s31 =	simm.s32 $0x8580;
	s2 =	sand.u32 $0x1, s2  }
0x7: {  	[smem:$0x7FF] =	sst s3;
	s4 =	sshll.u32 s4, $0xA;
	s5 =	sshll.u32 s2, $0x9  }
0x8: {  	_ =	strace $0x80000047;
	s2 =	ssub.s32 $0x2, s2;
	s4 =	sor.u32 s5, s4  }
0x9: {  	s25 =	sshrl.u32 s2, $0x1;
	s5 =	sshrl.u32 s4, $0x3;
	s4 =	sshrl.u32 s4, $0x1  }
0xa: {  	s26 =	ssub.s32 s2, s25;
	s25 =	simm.s32 $0x8300;
	s2 =	simm.s32 $0x8980  }
0xb: {  	s0 =	sadd.s32 s5, s0;
	s4 =	sadd.s32 s1, s4;
	s9 =	smax.u32 s26, $0x1  }
0xc: {  	s26 =	simm.s32 $0x8500;
	s1 =	simm.s32 $0x0;
	s5 =	sadd.s32 $0x800, s0  }
0xd: {  	s6 =	sadd.s32 $0x10, s4;
	s7 =	sadd.s32 $0x20, s4;
	s8 =	sadd.s32 $0x30, s4  }
0xe: {  	s13 =	sadd.s32 $0x40, s4;
	s15 =	sadd.s32 $0x80, s4;
	s17 =	sadd.s32 $0xC0, s4  }
0xf: {  	s0 =	simm.s32 $0x8780;
	s20 =	sadd.s32 $0x40, s6;
	s22 =	sadd.s32 $0x80, s6  }
.LBB2_1:
0x10: {  	s11 =	rddreg [dreg:$0x0]  }
0x11: {  	[tilespmem:s3], [sflag:$0x1] =	stream.linear.gather [hbm4b:s11+s3], $0x8000, $0x38;
	[tilespmem:$0x8A00] =	vst v63  }
0x12: {  	_ =	swait.ge [sflag:s10], $0x8000  }
0x13: {  	[sflag:s10] =	ssyncset.done $0x0  }
0x14: {  	s16 =	simm.s32 $0x8000;
	[sflag:s10] =	ssyncadd.s32 $0xFFFF8000  }
0x15: {  	[tilespmem:s16], [sflag:$0x1] =	stream.linear.gather [hbm4b:s5+s3], $0x200, $0x38;
	[tilespmem:$0x8A00] =	vst v63  }
0x16: {  	_ =	swait.ge [sflag:s10], $0x200  }
0x17: {  	[sflag:s10] =	ssyncset.done $0x0  }
0x18: {  	s18 =	simm.s32 $0x0;
	[sflag:s10] =	ssyncadd.s32 $0xFFFFFE00  }
0x19: {  	v0 =	vld [tilespmem:s18+$0x8000];
	_ =	sdelay $0x4  }
0x1a: {  	v0 =	vshll.u32 v0, $0x2;
	_ =	sdelay $0x4  }
0x1b: {  	v1 =	vld.idx.msk [tilespmem:v0+s3+$0x0], $0xffff  }
0x1c: {  	v2 =	vor.u32 $0x1, v0;
	_ =	sdelay $0x1  }
0x1d: {  	s19 =	sand.u32 $0x70, s3;
	s12 =	sand.u32 $0x600, s3  }
0x1e: {  	s16 =	sor.u32 s19, s12  }
0x1f: {  	[tilespmem:s16+$0x8200] =	vst v1  }
0x20: {  	v1 =	vld.idx.msk [tilespmem:v2+s3+$0x0], $0xffff  }
0x21: {  	v2 =	vor.u32 $0x2, v0;
	_ =	sdelay $0x3  }
0x22: {  	[tilespmem:s16+$0x8280] =	vst v1  }
0x23: {  	v1 =	vld.idx.msk [tilespmem:v2+s3+$0x0], $0xffff  }
0x24: {  	v0 =	vor.u32 $0x3, v0;
	_ =	sdelay $0x3  }
0x25: {  	[tilespmem:s16+$0x8300] =	vst v1  }
0x26: {  	v0 =	vld.idx.msk [tilespmem:v0+s3+$0x0], $0xffff;
	_ =	sdelay $0x2  }
0x27: {  	s14 =	simm.s32 $0x20;
	s11 =	simm.s32 $0x10;
	s12 =	simm.s32 $0x40  }
.LBB2_2:
0x28: {  	p0 =	sne.s32 s14, $0x1F0  }
0x29: {  	s18 =	sshra.s32 s12, $0x2;
	[tilespmem:s16+$0x8380] =	vst v0;
	s16 =	smov.u32 s14;
	s14 =	sadd.s32 $0x10, s14  }
0x2a: {  	v0 =	vld [tilespmem:s18+$0x8000];
	_ =	sdelay $0x4  }
0x2b: {  	v0 =	vshll.u32 v0, $0x2;
	_ =	sdelay $0x4  }
0x2c: {  	v1 =	vld.idx.msk [tilespmem:v0+s3+$0x0], $0xffff;
	_ =	sdelay $0x1  }
0x2d: {  	v2 =	vor.u32 $0x1, v0;
	_ =	sdelay $0x1  }
0x2e: {  	s19 =	sand.u32 $0x600, s12;
	s18 =	sand.u32 $0x70, s11;
	s11 =	smov.u32 s16  }
0x2f: {  	s16 =	sor.u32 s18, s19  }
0x30: {  	[tilespmem:s16+$0x8200] =	vst v1  }
0x31: {  	v1 =	vld.idx.msk [tilespmem:v2+s3+$0x0], $0xffff;
	_ =	sdelay $0x1  }
0x32: {  	v2 =	vor.u32 $0x2, v0;
	_ =	sdelay $0x3  }
0x33: {  	[tilespmem:s16+$0x8280] =	vst v1  }
0x34: {  	v1 =	vld.idx.msk [tilespmem:v2+s3+$0x0], $0xffff;
	_ =	sdelay $0x1  }
0x35: {  	v0 =	vor.u32 $0x3, v0;
	_ =	sdelay $0x3  }
0x36: {  	[tilespmem:s16+$0x8300] =	vst v1  }
0x37: {  	v0 =	vld.idx.msk [tilespmem:v0+s3+$0x0], $0xffff  }
.Ltmp0:
0x38: {  	(pc) =	sbr.rel @p0 .LBB2_2-.Ltmp0, $2  }
0x39: {  	_ =	sdelay $0x2  }
0x3a: {  	s12 =	sadd.s32 $0x40, s12  }
0x3b: {  	[tilespmem:s16+$0x8380] =	vst v0;
	s14 =	sshra.s32 s12, $0x2  }
0x3c: {  	v0 =	vld [tilespmem:s14+$0x8000];
	_ =	sdelay $0x4  }
0x3d: {  	v0 =	vshll.u32 v0, $0x2;
	_ =	sdelay $0x4  }
0x3e: {  	v1 =	vld.idx.msk [tilespmem:v0+s3+$0x0], $0xffff  }
0x3f: {  	v2 =	vor.u32 $0x1, v0;
	_ =	sdelay $0x1  }
0x40: {  	s11 =	sand.u32 $0x70, s11;
	s16 =	sand.u32 $0x600, s12  }
0x41: {  	s11 =	sor.u32 s11, s16  }
0x42: {  	[tilespmem:s11+$0x8200] =	vst v1  }
0x43: {  	v1 =	vld.idx.msk [tilespmem:v2+s3+$0x0], $0xffff  }
0x44: {  	v63 =	vor.u32 $0x2, v0;
	_ =	sdelay $0x3  }
0x45: {  	[tilespmem:s11+$0x8280] =	vst v1  }
0x46: {  	v1 =	vld.idx.msk [tilespmem:v63+s3+$0x0], $0xffff  }
0x47: {  	v0 =	vor.u32 $0x3, v0;
	_ =	sdelay $0x3  }
0x48: {  	[tilespmem:s11+$0x8300] =	vst v1  }
0x49: {  	v0 =	vld.idx.msk [tilespmem:v0+s3+$0x0], $0xffff;
	_ =	sdelay $0x4  }
0x4a: {  	s18 =	simm.s32 $0x8200;
	[tilespmem:s11+$0x8380] =	vst v0  }
0x4b: {  	[hbm4b:s4+s3] =	stream.linear.scatter [tilespmem:s18], [sflag:$0x1], $0x80, $0x38;
	[tilespmem:$0x8A00] =	vst v63  }
0x4c: {  	s19 =	simm.s32 $0x8400  }
0x4d: {  	[hbm4b:s13+s3] =	stream.linear.scatter [tilespmem:s19], [sflag:$0x1], $0x80, $0x38;
	[tilespmem:$0x8A00] =	vst v63  }
0x4e: {  	s12 =	simm.s32 $0x8600  }
0x4f: {  	[hbm4b:s15+s3] =	stream.linear.scatter [tilespmem:s12], [sflag:$0x1], $0x80, $0x38;
	[tilespmem:$0x8A00] =	vst v63  }
0x50: {  	s14 =	simm.s32 $0x8800  }
0x51: {  	[hbm4b:s17+s3] =	stream.linear.scatter [tilespmem:s14], [sflag:$0x1], $0x80, $0x38;
	[tilespmem:$0x8A00] =	vst v63  }
0x52: {  	_ =	swait.ge [sflag:s10], $0x200  }
0x53: {  	[sflag:s10] =	ssyncset.done $0x0  }
0x54: {  	s16 =	simm.s32 $0x8280;
	[sflag:s10] =	ssyncadd.s32 $0xFFFFFE00  }
0x55: {  	[hbm4b:s6+s3] =	stream.linear.scatter [tilespmem:s16], [sflag:$0x1], $0x80, $0x38;
	[tilespmem:$0x8A00] =	vst v63  }
0x56: {  	_ = 	snop  }
0x57: {  	[hbm4b:s20+s3] =	stream.linear.scatter [tilespmem:s21], [sflag:$0x1], $0x80, $0x38;
	[tilespmem:$0x8A00] =	vst v63  }
0x58: {  	_ = 	snop  }
0x59: {  	[hbm4b:s22+s3] =	stream.linear.scatter [tilespmem:s23], [sflag:$0x1], $0x80, $0x38;
	[tilespmem:$0x8A00] =	vst v63  }
0x5a: {  	s18 =	sadd.s32 $0xC0, s6  }
0x5b: {  	[hbm4b:s18+s3] =	stream.linear.scatter [tilespmem:s24], [sflag:$0x1], $0x80, $0x38;
	[tilespmem:$0x8A00] =	vst v63  }
0x5c: {  	_ =	swait.ge [sflag:s10], $0x200  }
0x5d: {  	[sflag:s10] =	ssyncset.done $0x0  }
0x5e: {  	[sflag:s10] =	ssyncadd.s32 $0xFFFFFE00  }
0x5f: {  	[hbm4b:s7+s3] =	stream.linear.scatter [tilespmem:s25], [sflag:$0x1], $0x80, $0x38;
	[tilespmem:$0x8A00] =	vst v63  }
0x60: {  	s19 =	sadd.s32 $0x40, s7  }
0x61: {  	[hbm4b:s19+s3] =	stream.linear.scatter [tilespmem:s26], [sflag:$0x1], $0x80, $0x38;
	[tilespmem:$0x8A00] =	vst v63  }
0x62: {  	s12 =	sadd.s32 $0x80, s7  }
0x63: {  	[hbm4b:s12+s3] =	stream.linear.scatter [tilespmem:s28], [sflag:$0x1], $0x80, $0x38;
	[tilespmem:$0x8A00] =	vst v63  }
0x64: {  	s14 =	sadd.s32 $0xC0, s7  }
0x65: {  	[hbm4b:s14+s3] =	stream.linear.scatter [tilespmem:s29], [sflag:$0x1], $0x80, $0x38;
	[tilespmem:$0x8A00] =	vst v63  }
0x66: {  	_ =	swait.ge [sflag:s10], $0x200  }
0x67: {  	[sflag:s10] =	ssyncset.done $0x0  }
0x68: {  	[sflag:s10] =	ssyncadd.s32 $0xFFFFFE00  }
0x69: {  	[hbm4b:s8+s3] =	stream.linear.scatter [tilespmem:s30], [sflag:$0x1], $0x80, $0x38;
	[tilespmem:$0x8A00] =	vst v63  }
0x6a: {  	s1 =	sadd.s32 $0x1, s1;
	s16 =	sadd.s32 $0x40, s8  }
0x6b: {  	[hbm4b:s16+s3] =	stream.linear.scatter [tilespmem:s31], [sflag:$0x1], $0x80, $0x38;
	[tilespmem:$0x8A00] =	vst v63  }
0x6c: {  	p0 =	sne.s32 s1, s9;
	s18 =	sadd.s32 $0x80, s8  }
0x6d: {  	[hbm4b:s18+s3] =	stream.linear.scatter [tilespmem:s0], [sflag:$0x1], $0x80, $0x38;
	[tilespmem:$0x8A00] =	vst v63  }
.Ltmp1:
0x6e: {  	s19 =	sadd.s32 $0xC0, s8;
	(pc) =	sbr.rel @p0 .LBB2_1-.Ltmp1, $4  }
0x6f: {  	[hbm4b:s19+s3] =	stream.linear.scatter [tilespmem:s2], [sflag:$0x1], $0x80, $0x38;
	[tilespmem:$0x8A00] =	vst v63  }
0x70: {  	_ =	swait.ge [sflag:s10], $0x200  }
0x71: {  	[sflag:s10] =	ssyncset.done $0x0  }
0x72: {  	[sflag:s10] =	ssyncadd.s32 $0xFFFFFE00  }
0x73: {  	_ =	sfence.sel $0x180000  }
0x74: {  	[bflag:$0x0] =	sbarrier.arrive $0xFFFF  }
0x75: {  	_ =	strace $0x90000047  }
0x76: {  	s0 =	stileid.u32;
	[bflag:$0x2] =	sbarrier.arrive $0xFFFF  }
0x77: {  	p0 =	sne.s32 s0, $0x0;
	s0 =	rddreg [dreg:$0x3]  }
0x78: {  	s0 =	sadd.s32 @!p0 $0x100000, s0  }
0x79: {  	[sflag:s0] =	ssyncadd.tile.s32 @!p0 $0x1;
	_ =	shalt  }
.Lfunc_end2:
_tile_overlayer_lowered:
.L_overlay_start_2:
0x7a: {  	(tag) =	ssettag $0x2  }
0x7b: {  	s0 =	rddreg [dreg:$0x0];
	s2 =	stileid.u32  }
0x7c: {  	s1 =	rddreg [dreg:$0x1];
	p0 =	sne.s32 s2, $0x0  }
0x7d: {  	s3 =	rddreg [dreg:$0x2];
	[bflag:$0x3] =	sbarrier.arrive $0xFFFF;
	s2 =	simm.s32 @!p0 $0x1C01  }
0x7e: {  	[timem:s3], [sflag:s2] =	dma.local @!p0 [hbm:s0], s1  }
0x7f: {  	s0 =	simm.s32 @!p0 $0x1  }
0x80: {  	_ =	swait.ge @!p0 [sflag:s0], s1  }
0x81: {  	s1 =	ssub.s32 @!p0 $0x0, s1;
	[sflag:s0] =	ssyncset.done @!p0 $0x0  }
0x82: {  	[sflag:s0] =	ssyncadd.s32 @!p0 s1  }
0x83: {  	[bflag:$0x3] =	sbarrier.arrive $0xFFFF  }
0x84: {  	_ =	shalt  }

</sc_bundles>
